<compile_context>
chip_gen: v7x
topology: tpu7x:2x2x1
jax: 0.10.2.dev20260603
libtpu: 0.0.44.dev20260713+nightly
codegen_flags: <defaults>
</compile_context>

<pallas_src>
import functools

import jax
import jax.numpy as jnp
from jax import lax
from jax.experimental import pallas as pl
from jax.experimental.pallas import tpu as pltpu
from jax.experimental.pallas import tpu_sc as plsc

_N, _H, _T, _HID = 1, 12, 2048, 64
_NW = 32
_TP = 8
_CHUNK = _T // _TP
_HPW = _H * _TP // _NW


def _sc_body(v_hbm, o_hbm, obuf, vbuf, sem):
    wid = lax.axis_index("s") * 2 + lax.axis_index("c")
    tp = wid % _TP
    h0 = (wid // _TP) * _HPW
    t0 = tp * _CHUNK

    denom = jnp.float32(_T - 1) + jnp.float32(1e-8)

    def head_body(i, _):
        hh = h0 + i
        pltpu.sync_copy(v_hbm.at[0, hh, pl.ds(t0, _CHUNK), :], vbuf)

        def row_body(r, _):
            obuf[r, pl.ds(0, 16)] = jnp.zeros((16,), jnp.float32)
            obuf[r, pl.ds(16, 16)] = jnp.zeros((16,), jnp.float32)
            obuf[r, pl.ds(32, 16)] = jnp.zeros((16,), jnp.float32)
            obuf[r, pl.ds(48, 16)] = jnp.zeros((16,), jnp.float32)
            obuf[r, pl.ds(64, 16)] = vbuf[r, pl.ds(0, 16)]
            obuf[r, pl.ds(80, 16)] = vbuf[r, pl.ds(16, 16)]
            obuf[r, pl.ds(96, 16)] = vbuf[r, pl.ds(32, 16)]
            obuf[r, pl.ds(112, 16)] = vbuf[r, pl.ds(48, 16)]
            return 0

        lax.fori_loop(0, _CHUNK, row_body, 0)

        def scatter_body(g, _):
            rows = g * 16 + lax.iota(jnp.int32, 16)
            tf = (t0 + rows).astype(jnp.float32)
            yg = tf / denom * 2.0 - 1.0
            y = (yg + 1.0) * 0.5 * (_HID - 1)
            y0 = y.astype(jnp.int32)
            wy = y - y0.astype(jnp.float32)
            plsc.store_scatter(obuf, [rows, y0], 1.0 - wy)
            plsc.store_scatter(obuf, [rows, y0 + 1], wy,
                               mask=(y0 + 1) <= (_HID - 1))
            return 0

        lax.fori_loop(0, _CHUNK // 16, scatter_body, 0)

        pltpu.sync_copy(obuf, o_hbm.at[0, hh, pl.ds(t0, _CHUNK), :])
        return 0

    lax.fori_loop(0, _HPW, head_body, 0)


def kernel(q, k, v, q_for_atten, k_for_atten, v_for_atten, q_for_score,
           k_for_score, attention_mask, attention_scores_truth,
           context_layer_truth):
    mesh = plsc.VectorSubcoreMesh(core_axis_name="c", subcore_axis_name="s")
    run = functools.partial(
        pl.kernel,
        mesh=mesh,
        out_type=jax.ShapeDtypeStruct((_N, _H, _T, 2 * _HID), jnp.float32),
        scratch_types=[
            pltpu.VMEM((_CHUNK, 2 * _HID), jnp.float32),
            pltpu.VMEM((_CHUNK, _HID), jnp.float32),
            pltpu.SemaphoreType.DMA,
        ],
        compiler_params=pltpu.CompilerParams(use_tc_tiling_on_sc=True,
                                             needs_layout_passes=False),
    )(_sc_body)
    return run(v_for_atten)

# --- scband reference (transcript-rebuilt; emitter-appended) ---
"""Pipeline reference for scband-perlin-attention-73598559584999 (READ-ONLY COPY).

The authoritative reference and input builder live on the scoring server;
editing this copy changes nothing except your own understanding.
"""

import jax, jax.numpy as jnp
import numpy as np

N, H, T, HID = 1, 12, 2048, 64


def grid_sample_bilinear(inp, grid):
    # inp: (N, C, Hin, Win); grid: (N, Hout, Wout, 2) in [-1, 1]; align_corners=True, zeros padding
    Nb, C, Hin, Win = inp.shape
    x = (grid[..., 0] + 1.0) * 0.5 * (Win - 1)
    y = (grid[..., 1] + 1.0) * 0.5 * (Hin - 1)
    x0 = jnp.floor(x)
    y0 = jnp.floor(y)
    wx1 = x - x0
    wy1 = y - y0

    def corner(xi, yi, w):
        valid = ((xi >= 0) & (xi <= Win - 1) & (yi >= 0) & (yi <= Hin - 1)).astype(inp.dtype)
        xi_c = jnp.clip(xi, 0, Win - 1).astype(jnp.int32)
        yi_c = jnp.clip(yi, 0, Hin - 1).astype(jnp.int32)
        ww = w * valid

        def g(img, yc, xc, wmap):
            return img[:, yc, xc] * wmap[None, :, :]

        return jax.vmap(g)(inp, yi_c, xi_c, ww)

    out = corner(x0, y0, (1.0 - wx1) * (1.0 - wy1))
    out = out + corner(x0 + 1.0, y0, wx1 * (1.0 - wy1))
    out = out + corner(x0, y0 + 1.0, (1.0 - wx1) * wy1)
    out = out + corner(x0 + 1.0, y0 + 1.0, wx1 * wy1)
    return out  # (N, C, Hout, Wout)


def setup_inputs(seed: int = 0) -> dict:
    key = jax.random.key(seed)
    ks = [jax.random.fold_in(key, i) for i in range(16)]
    inp = {}
    inp['q'] = jax.random.normal(ks[0], (N, H, T, HID), dtype=jnp.float32)
    inp['k'] = jax.random.normal(ks[1], (N, H, T, HID), dtype=jnp.float32)
    inp['v'] = jax.random.normal(ks[2], (N, H, T, HID), dtype=jnp.float32)
    inp['q_for_atten'] = jax.random.normal(ks[3], (N, H, T, HID), dtype=jnp.float32)
    inp['k_for_atten'] = jax.random.normal(ks[4], (N, H, T, HID), dtype=jnp.float32)
    inp['v_for_atten'] = jax.random.normal(ks[5], (N, H, T, HID), dtype=jnp.float32)
    inp['q_for_score'] = jax.random.normal(ks[6], (N, H, T, HID), dtype=jnp.float32)
    inp['k_for_score'] = jax.random.normal(ks[7], (N, H, T, HID), dtype=jnp.float32)
    inp['attention_mask'] = jnp.zeros((N, 1, 1, T), dtype=jnp.float32)
    inp['attention_scores_truth'] = jax.random.normal(ks[8], (N, H, T, T), dtype=jnp.float32)
    inp['context_layer_truth'] = jax.random.normal(ks[9], (N, T, H * HID), dtype=jnp.float32)
    return inp


def reference(q, k, v, q_for_atten, k_for_atten, v_for_atten, q_for_score, k_for_score, attention_mask, attention_scores_truth, context_layer_truth):
    Nb, Hh, Tt, Hd = q.shape
    zero_one_attention_mask = (attention_mask > -1).astype(q.dtype)  # (N,1,1,T)
    zom_cumsum = jnp.cumsum(zero_one_attention_mask, axis=-1)
    zom_sum = jnp.sum(zero_one_attention_mask, axis=-1)  # (N,1,1)
    # v-mask identity, expanded per head
    eye = jnp.eye(Hd, dtype=v.dtype).reshape(1, 1, Hd, Hd)
    v_for_atten_identity = jnp.broadcast_to(eye, (Nb, Hh, Hd, Hd))
    # grid construction
    token_index_y = ((zom_cumsum - 1.0) / ((zom_sum - 1.0).reshape(Nb, 1, 1, 1) + 1e-08) * 2.0 - 1.0).reshape(Nb, Tt, 1, 1)
    token_index_y = jnp.broadcast_to(token_index_y, (Nb, Tt, Hd, 1))
    token_index_x = (jnp.arange(Hd, dtype=q.dtype) / (Hd - 1) * 2.0 - 1.0).reshape(1, 1, Hd, 1)
    token_index_x = jnp.broadcast_to(token_index_x, (Nb, Tt, Hd, 1))
    token_index = jnp.concatenate([token_index_x, token_index_y], axis=-1)  # (N, T, HID, 2)
    # bilinear grid sample of identity (gather-heavy, SparseCore-friendly)
    sampled = grid_sample_bilinear(v_for_atten_identity, token_index)  # (N, H, T, HID)
    v_for_atten_out = jnp.concatenate([sampled, v_for_atten], axis=-1)  # (N, H, T, 2*HID)
    return v_for_atten_out

if __name__ == "__main__":
    import jax
    _d = setup_inputs()
    print(jax.jit(kernel)(*tuple(_d.values())))

</pallas_src>

<mosaic_0001>
#map = affine_map<(d0, d1) -> (0, 0, 0, 0)>
module attributes {stable_mosaic.version = 14 : i64} {
  func.func @_sc_body(%arg0: i32, %arg1: i32, %arg2: memref<1x12x2048x64xf32, #tpu.memory_space<hbm>>, %arg3: memref<1x12x2048x128xf32, #tpu.memory_space<hbm>>, %arg4: memref<256x128xf32, #tpu.memory_space<vmem>>, %arg5: memref<256x64xf32, #tpu.memory_space<vmem>>, %arg6: memref<!tpu.dma_semaphore, #tpu.memory_space<semaphore_mem>>) attributes {dimension_semantics = [#tpu.dimension_semantics<core_parallel>, #tpu.dimension_semantics<subcore_parallel>], iteration_bounds = array<i64: 2, 16>, scalar_prefetch = 0 : i64, scratch_operands = 3 : i64, tpu.core_type = #tpu.core_type<sc_vector_subcore>, window_params = [{transform_indices = #map}, {transform_indices = #map}]} {
    %mul3A = arith.constant 2 : i32
    %mul3A_0 = arith.muli %arg1, %mul3A : i32
    %add3A = arith.addi %mul3A_0, %arg0 : i32
    %jit3A = arith.constant 8 : i32
    %eq3A = arith.constant 0 : i32
    %eq3A_1 = arith.cmpi eq, %jit3A, %eq3A : i32
    %jit3A_2 = arith.constant 1 : i32
    %select_n3A = arith.select %eq3A_1, %jit3A_2, %jit3A : i32
    %rem3A = arith.remsi %add3A, %select_n3A : i32
    %ne3A = arith.constant 0 : i32
    %ne3A_3 = arith.cmpi ne, %rem3A, %ne3A : i32
    %lt3A = arith.constant 0 : i32
    %lt3A_4 = arith.cmpi slt, %rem3A, %lt3A : i32
    %lt3A_5 = arith.constant 0 : i32
    %lt3A_6 = arith.cmpi slt, %select_n3A, %lt3A_5 : i32
    %ne3A_7 = arith.xori %lt3A_4, %lt3A_6 : i1
    %and3A = arith.andi %ne3A_7, %ne3A_3 : i1
    %add3A_8 = arith.addi %rem3A, %select_n3A : i32
    %select_n3A_9 = arith.select %and3A, %add3A_8, %rem3A : i32
    %jit3A_10 = arith.constant 8 : i32
    %div3A = arith.divsi %add3A, %jit3A_10 : i32
    %sign3A = arith.constant 0 : i32
    %sign3A_11 = arith.cmpi sgt, %add3A, %sign3A : i32
    %sign3A_12 = arith.extui %sign3A_11 : i1 to i32
    %sign3A_13 = arith.constant 0 : i32
    %sign3A_14 = arith.cmpi slt, %add3A, %sign3A_13 : i32
    %sign3A_15 = arith.extui %sign3A_14 : i1 to i32
    %sign3A_16 = arith.subi %sign3A_12, %sign3A_15 : i32
    %sign3A_17 = arith.constant 0 : i32
    %sign3A_18 = arith.cmpi sgt, %jit3A_10, %sign3A_17 : i32
    %sign3A_19 = arith.extui %sign3A_18 : i1 to i32
    %sign3A_20 = arith.constant 0 : i32
    %sign3A_21 = arith.cmpi slt, %jit3A_10, %sign3A_20 : i32
    %sign3A_22 = arith.extui %sign3A_21 : i1 to i32
    %sign3A_23 = arith.subi %sign3A_19, %sign3A_22 : i32
    %ne3A_24 = arith.cmpi ne, %sign3A_16, %sign3A_23 : i32
    %rem3A_25 = arith.remsi %add3A, %jit3A_10 : i32
    %ne3A_26 = arith.constant 0 : i32
    %ne3A_27 = arith.cmpi ne, %rem3A_25, %ne3A_26 : i32
    %and3A_28 = arith.andi %ne3A_24, %ne3A_27 : i1
    %sub3A = arith.constant 1 : i32
    %sub3A_29 = arith.subi %div3A, %sub3A : i32
    %select_n3A_30 = arith.select %and3A_28, %sub3A_29, %div3A : i32
    %mul3A_31 = arith.constant 3 : i32
    %mul3A_32 = arith.muli %select_n3A_30, %mul3A_31 : i32
    %mul3A_33 = arith.constant 256 : i32
    %mul3A_34 = arith.muli %select_n3A_9, %mul3A_33 : i32
    %add3A_35 = arith.constant 2.047000e+03 : f32
    %add3A_36 = arith.constant 9.99999993E-9 : f32
    %add3A_37 = arith.addf %add3A_35, %add3A_36 : f32
    %scan3A = arith.constant 0 : i32
    %scan3A_38 = arith.constant 0 : i32
    %scan3A_39 = arith.constant 3 : i32
    %scan3A_40 = arith.addi %scan3A_38, %scan3A_39 : i32
    %scan3A_41 = arith.constant 1 : i32
    %scan3A_42 = scf.for %scan3A_44 = %scan3A_38 to %scan3A_40 step %scan3A_41 iter_args(%scan3A_45 = %scan3A) -> (i32)  : i32 {
      %add3A_46 = arith.addi %mul3A_32, %scan3A_44 : i32
      %run_scoped3A = arith.constant 0 : i32
      "tpu.region"() ({
        %run_scoped3A_63 = tpu.sem_alloc : memref<!tpu.dma_semaphore, #tpu.memory_space<semaphore_mem>>
        %dma_start3A = arith.constant 0 : i32
        %dma_start3A_64 = tpu.memref_slice %arg2[%run_scoped3A, %add3A_46, %mul3A_34, %dma_start3A] : memref<1x12x2048x64xf32, #tpu.memory_space<hbm>> -> memref<1x1x256x64xf32, #tpu.memory_space<hbm>>
        %dma_start3A_65 = tpu.memref_squeeze %dma_start3A_64 : memref<1x1x256x64xf32, #tpu.memory_space<hbm>> -> memref<256x64xf32, #tpu.memory_space<hbm>>
        %dma_start3A_66 = arith.constant 0 : i32
        %dma_start3A_67 = tpu.memref_slice %arg2[%run_scoped3A, %add3A_46, %mul3A_34, %dma_start3A_66] : memref<1x12x2048x64xf32, #tpu.memory_space<hbm>> -> memref<1x1x256x64xf32, #tpu.memory_space<hbm>>
        %dma_start3A_68 = tpu.memref_squeeze %dma_start3A_67 : memref<1x1x256x64xf32, #tpu.memory_space<hbm>> -> memref<256x64xf32, #tpu.memory_space<hbm>>
        tpu.enqueue_dma source(%dma_start3A_68 : memref<256x64xf32, #tpu.memory_space<hbm>>) target(%arg5 : memref<256x64xf32, #tpu.memory_space<vmem>>) target_semaphore(%run_scoped3A_63 : memref<!tpu.dma_semaphore, #tpu.memory_space<semaphore_mem>>)
        %dma_wait3A = arith.constant 0 : i32
        %dma_wait3A_69 = tpu.memref_slice %arg2[%run_scoped3A, %add3A_46, %mul3A_34, %dma_wait3A] : memref<1x12x2048x64xf32, #tpu.memory_space<hbm>> -> memref<1x1x256x64xf32, #tpu.memory_space<hbm>>
        %dma_wait3A_70 = tpu.memref_squeeze %dma_wait3A_69 : memref<1x1x256x64xf32, #tpu.memory_space<hbm>> -> memref<256x64xf32, #tpu.memory_space<hbm>>
        %dma_wait3A_71 = arith.constant 0 : i32
        %dma_wait3A_72 = tpu.memref_slice %arg2[%run_scoped3A, %add3A_46, %mul3A_34, %dma_wait3A_71] : memref<1x12x2048x64xf32, #tpu.memory_space<hbm>> -> memref<1x1x256x64xf32, #tpu.memory_space<hbm>>
        %dma_wait3A_73 = tpu.memref_squeeze %dma_wait3A_72 : memref<1x1x256x64xf32, #tpu.memory_space<hbm>> -> memref<256x64xf32, #tpu.memory_space<hbm>>
        tpu.wait_dma2 semaphore(%run_scoped3A_63 : memref<!tpu.dma_semaphore, #tpu.memory_space<semaphore_mem>>) src(%dma_wait3A_73 : memref<256x64xf32, #tpu.memory_space<hbm>>) dst(%arg5 : memref<256x64xf32, #tpu.memory_space<vmem>>)
        tpu.yield
      }) : () -> ()
      %scan3A_47 = arith.constant 0 : i32
      %scan3A_48 = arith.constant 0 : i32
      %scan3A_49 = arith.constant 256 : i32
      %scan3A_50 = arith.addi %scan3A_48, %scan3A_49 : i32
      %scan3A_51 = arith.constant 1 : i32
      %scan3A_52 = scf.for %scan3A_63 = %scan3A_48 to %scan3A_50 step %scan3A_51 iter_args(%scan3A_64 = %scan3A_47) -> (i32)  : i32 {
        %broadcast_in_dim3A = arith.constant 0.000000e+00 : f32
        %broadcast_in_dim3A_65 = vector.broadcast %broadcast_in_dim3A : f32 to vector<16xf32>
        %swap3A = arith.index_cast %scan3A_63 : i32 to index
        %swap3A_66 = arith.constant 0 : index
        %swap3A_67 = tpu.vector_load %arg4[%swap3A, %swap3A_66] {strides = array<i32>} : memref<256x128xf32, #tpu.memory_space<vmem>>, vector<16xf32>,
        tpu.vector_store %arg4[%swap3A, %swap3A_66], %broadcast_in_dim3A_65 {strides = array<i32>} : memref<256x128xf32, #tpu.memory_space<vmem>>, vector<16xf32>,
        %broadcast_in_dim3A_68 = arith.constant 0.000000e+00 : f32
        %broadcast_in_dim3A_69 = vector.broadcast %broadcast_in_dim3A_68 : f32 to vector<16xf32>
        %swap3A_70 = arith.index_cast %scan3A_63 : i32 to index
        %swap3A_71 = arith.constant 16 : index
        %swap3A_72 = tpu.vector_load %arg4[%swap3A_70, %swap3A_71] {strides = array<i32>} : memref<256x128xf32, #tpu.memory_space<vmem>>, vector<16xf32>,
        tpu.vector_store %arg4[%swap3A_70, %swap3A_71], %broadcast_in_dim3A_69 {strides = array<i32>} : memref<256x128xf32, #tpu.memory_space<vmem>>, vector<16xf32>,
        %broadcast_in_dim3A_73 = arith.constant 0.000000e+00 : f32
        %broadcast_in_dim3A_74 = vector.broadcast %broadcast_in_dim3A_73 : f32 to vector<16xf32>
        %swap3A_75 = arith.index_cast %scan3A_63 : i32 to index
        %swap3A_76 = arith.constant 32 : index
        %swap3A_77 = tpu.vector_load %arg4[%swap3A_75, %swap3A_76] {strides = array<i32>} : memref<256x128xf32, #tpu.memory_space<vmem>>, vector<16xf32>,
        tpu.vector_store %arg4[%swap3A_75, %swap3A_76], %broadcast_in_dim3A_74 {strides = array<i32>} : memref<256x128xf32, #tpu.memory_space<vmem>>, vector<16xf32>,
        %broadcast_in_dim3A_78 = arith.constant 0.000000e+00 : f32
        %broadcast_in_dim3A_79 = vector.broadcast %broadcast_in_dim3A_78 : f32 to vector<16xf32>
        %swap3A_80 = arith.index_cast %scan3A_63 : i32 to index
        %swap3A_81 = arith.constant 48 : index
        %swap3A_82 = tpu.vector_load %arg4[%swap3A_80, %swap3A_81] {strides = array<i32>} : memref<256x128xf32, #tpu.memory_space<vmem>>, vector<16xf32>,
        tpu.vector_store %arg4[%swap3A_80, %swap3A_81], %broadcast_in_dim3A_79 {strides = array<i32>} : memref<256x128xf32, #tpu.memory_space<vmem>>, vector<16xf32>,
        %get3A = arith.index_cast %scan3A_63 : i32 to index
        %get3A_83 = arith.constant 0 : index
        %get3A_84 = tpu.vector_load %arg5[%get3A, %get3A_83] {strides = array<i32>} : memref<256x64xf32, #tpu.memory_space<vmem>>, vector<16xf32>,
        %swap3A_85 = arith.index_cast %scan3A_63 : i32 to index
        %swap3A_86 = arith.constant 64 : index
        %swap3A_87 = tpu.vector_load %arg4[%swap3A_85, %swap3A_86] {strides = array<i32>} : memref<256x128xf32, #tpu.memory_space<vmem>>, vector<16xf32>,
        tpu.vector_store %arg4[%swap3A_85, %swap3A_86], %get3A_84 {strides = array<i32>} : memref<256x128xf32, #tpu.memory_space<vmem>>, vector<16xf32>,
        %get3A_88 = arith.index_cast %scan3A_63 : i32 to index
        %get3A_89 = arith.constant 16 : index
        %get3A_90 = tpu.vector_load %arg5[%get3A_88, %get3A_89] {strides = array<i32>} : memref<256x64xf32, #tpu.memory_space<vmem>>, vector<16xf32>,
        %swap3A_91 = arith.index_cast %scan3A_63 : i32 to index
        %swap3A_92 = arith.constant 80 : index
        %swap3A_93 = tpu.vector_load %arg4[%swap3A_91, %swap3A_92] {strides = array<i32>} : memref<256x128xf32, #tpu.memory_space<vmem>>, vector<16xf32>,
        tpu.vector_store %arg4[%swap3A_91, %swap3A_92], %get3A_90 {strides = array<i32>} : memref<256x128xf32, #tpu.memory_space<vmem>>, vector<16xf32>,
        %get3A_94 = arith.index_cast %scan3A_63 : i32 to index
        %get3A_95 = arith.constant 32 : index
        %get3A_96 = tpu.vector_load %arg5[%get3A_94, %get3A_95] {strides = array<i32>} : memref<256x64xf32, #tpu.memory_space<vmem>>, vector<16xf32>,
        %swap3A_97 = arith.index_cast %scan3A_63 : i32 to index
        %swap3A_98 = arith.constant 96 : index
        %swap3A_99 = tpu.vector_load %arg4[%swap3A_97, %swap3A_98] {strides = array<i32>} : memref<256x128xf32, #tpu.memory_space<vmem>>, vector<16xf32>,
        tpu.vector_store %arg4[%swap3A_97, %swap3A_98], %get3A_96 {strides = array<i32>} : memref<256x128xf32, #tpu.memory_space<vmem>>, vector<16xf32>,
        %get3A_100 = arith.index_cast %scan3A_63 : i32 to index
        %get3A_101 = arith.constant 48 : index
        %get3A_102 = tpu.vector_load %arg5[%get3A_100, %get3A_101] {strides = array<i32>} : memref<256x64xf32, #tpu.memory_space<vmem>>, vector<16xf32>,
        %swap3A_103 = arith.index_cast %scan3A_63 : i32 to index
        %swap3A_104 = arith.constant 112 : index
        %swap3A_105 = tpu.vector_load %arg4[%swap3A_103, %swap3A_104] {strides = array<i32>} : memref<256x128xf32, #tpu.memory_space<vmem>>, vector<16xf32>,
        tpu.vector_store %arg4[%swap3A_103, %swap3A_104], %get3A_102 {strides = array<i32>} : memref<256x128xf32, #tpu.memory_space<vmem>>, vector<16xf32>,
        %scan3A_106 = arith.constant 0 : i32
        scf.yield %scan3A_106 : i32
      }
      %scan3A_53 = arith.constant 256 : i32
      %scan3A_54 = arith.constant 0 : i32
      %scan3A_55 = arith.constant 0 : i32
      %scan3A_56 = arith.constant 16 : i32
      %scan3A_57 = arith.addi %scan3A_55, %scan3A_56 : i32
      %scan3A_58 = arith.constant 1 : i32
      %scan3A_59 = scf.for %scan3A_63 = %scan3A_55 to %scan3A_57 step %scan3A_58 iter_args(%scan3A_64 = %scan3A_54) -> (i32)  : i32 {
        %mul3A_65 = arith.constant 16 : i32
        %mul3A_66 = arith.muli %scan3A_63, %mul3A_65 : i32
        %iota3A = tpu.iota {dimensions = array<i32: 0>} : vector<16xi32>
        %add3A_67 = vector.broadcast %mul3A_66 : i32 to vector<16xi32>
        %add3A_68 = arith.addi %add3A_67, %iota3A : vector<16xi32>
        %add3A_69 = vector.broadcast %mul3A_34 : i32 to vector<16xi32>
        %add3A_70 = arith.addi %add3A_69, %add3A_68 : vector<16xi32>
        %convert_element_type3A = arith.sitofp %add3A_70 : vector<16xi32> to vector<16xf32>
        %div3A_71 = vector.broadcast %add3A_37 : f32 to vector<16xf32>
        %div3A_72 = arith.divf %convert_element_type3A, %div3A_71 : vector<16xf32>
        %mul3A_73 = arith.constant 2.000000e+00 : f32
        %mul3A_74 = vector.broadcast %mul3A_73 : f32 to vector<16xf32>
        %mul3A_75 = arith.mulf %div3A_72, %mul3A_74 : vector<16xf32>
        %sub3A_76 = arith.constant 1.000000e+00 : f32
        %sub3A_77 = vector.broadcast %sub3A_76 : f32 to vector<16xf32>
        %sub3A_78 = arith.subf %mul3A_75, %sub3A_77 : vector<16xf32>
        %add3A_79 = arith.constant 1.000000e+00 : f32
        %add3A_80 = vector.broadcast %add3A_79 : f32 to vector<16xf32>
        %add3A_81 = arith.addf %sub3A_78, %add3A_80 : vector<16xf32>
        %mul3A_82 = arith.constant 5.000000e-01 : f32
        %mul3A_83 = vector.broadcast %mul3A_82 : f32 to vector<16xf32>
        %mul3A_84 = arith.mulf %add3A_81, %mul3A_83 : vector<16xf32>
        %mul3A_85 = arith.constant 6.300000e+01 : f32
        %mul3A_86 = vector.broadcast %mul3A_85 : f32 to vector<16xf32>
        %mul3A_87 = arith.mulf %mul3A_84, %mul3A_86 : vector<16xf32>
        %convert_element_type3A_88 = arith.fptosi %mul3A_87 : vector<16xf32> to vector<16xi32>
        %convert_element_type3A_89 = arith.sitofp %convert_element_type3A_88 : vector<16xi32> to vector<16xf32>
        %sub3A_90 = arith.subf %mul3A_87, %convert_element_type3A_89 : vector<16xf32>
        %sub3A_91 = arith.constant 1.000000e+00 : f32
        %sub3A_92 = vector.broadcast %sub3A_91 : f32 to vector<16xf32>
        %sub3A_93 = arith.subf %sub3A_92, %sub3A_90 : vector<16xf32>
        tpu.vector_store_idx %arg4[%add3A_68, %convert_element_type3A_88], %sub3A_93 : memref<256x128xf32, #tpu.memory_space<vmem>>[vector<16xi32>, vector<16xi32>], vector<16xf32>,
        %add3A_94 = arith.constant 1 : i32
        %add3A_95 = vector.broadcast %add3A_94 : i32 to vector<16xi32>
        %add3A_96 = arith.addi %convert_element_type3A_88, %add3A_95 : vector<16xi32>
        %add3A_97 = arith.constant 1 : i32
        %add3A_98 = vector.broadcast %add3A_97 : i32 to vector<16xi32>
        %add3A_99 = arith.addi %convert_element_type3A_88, %add3A_98 : vector<16xi32>
        %le3A = arith.constant 63 : i32
        %le3A_100 = vector.broadcast %le3A : i32 to vector<16xi32>
        %le3A_101 = arith.cmpi sle, %add3A_99, %le3A_100 : vector<16xi32>
        tpu.vector_store_idx %arg4[%add3A_68, %add3A_96], %sub3A_90 masked %le3A_101 : memref<256x128xf32, #tpu.memory_space<vmem>>[vector<16xi32>, vector<16xi32>], vector<16xf32>, vector<16xi1>
        %scan3A_102 = arith.constant 0 : i32
        scf.yield %scan3A_102 : i32
      }
      %scan3A_60 = arith.constant 16 : i32
      %run_scoped3A_61 = arith.constant 0 : i32
      "tpu.region"() ({
        %run_scoped3A_63 = tpu.sem_alloc : memref<!tpu.dma_semaphore, #tpu.memory_space<semaphore_mem>>
        %dma_start3A = arith.constant 0 : i32
        %dma_start3A_64 = tpu.memref_slice %arg3[%run_scoped3A_61, %add3A_46, %mul3A_34, %dma_start3A] : memref<1x12x2048x128xf32, #tpu.memory_space<hbm>> -> memref<1x1x256x128xf32, #tpu.memory_space<hbm>>
        %dma_start3A_65 = tpu.memref_squeeze %dma_start3A_64 : memref<1x1x256x128xf32, #tpu.memory_space<hbm>> -> memref<256x128xf32, #tpu.memory_space<hbm>>
        %dma_start3A_66 = arith.constant 0 : i32
        %dma_start3A_67 = tpu.memref_slice %arg3[%run_scoped3A_61, %add3A_46, %mul3A_34, %dma_start3A_66] : memref<1x12x2048x128xf32, #tpu.memory_space<hbm>> -> memref<1x1x256x128xf32, #tpu.memory_space<hbm>>
        %dma_start3A_68 = tpu.memref_squeeze %dma_start3A_67 : memref<1x1x256x128xf32, #tpu.memory_space<hbm>> -> memref<256x128xf32, #tpu.memory_space<hbm>>
        tpu.enqueue_dma source(%arg4 : memref<256x128xf32, #tpu.memory_space<vmem>>) target(%dma_start3A_68 : memref<256x128xf32, #tpu.memory_space<hbm>>) target_semaphore(%run_scoped3A_63 : memref<!tpu.dma_semaphore, #tpu.memory_space<semaphore_mem>>)
        %dma_wait3A = arith.constant 0 : i32
        %dma_wait3A_69 = tpu.memref_slice %arg3[%run_scoped3A_61, %add3A_46, %mul3A_34, %dma_wait3A] : memref<1x12x2048x128xf32, #tpu.memory_space<hbm>> -> memref<1x1x256x128xf32, #tpu.memory_space<hbm>>
        %dma_wait3A_70 = tpu.memref_squeeze %dma_wait3A_69 : memref<1x1x256x128xf32, #tpu.memory_space<hbm>> -> memref<256x128xf32, #tpu.memory_space<hbm>>
        %dma_wait3A_71 = arith.constant 0 : i32
        %dma_wait3A_72 = tpu.memref_slice %arg3[%run_scoped3A_61, %add3A_46, %mul3A_34, %dma_wait3A_71] : memref<1x12x2048x128xf32, #tpu.memory_space<hbm>> -> memref<1x1x256x128xf32, #tpu.memory_space<hbm>>
        %dma_wait3A_73 = tpu.memref_squeeze %dma_wait3A_72 : memref<1x1x256x128xf32, #tpu.memory_space<hbm>> -> memref<256x128xf32, #tpu.memory_space<hbm>>
        tpu.wait_dma2 semaphore(%run_scoped3A_63 : memref<!tpu.dma_semaphore, #tpu.memory_space<semaphore_mem>>) src(%arg4 : memref<256x128xf32, #tpu.memory_space<vmem>>) dst(%dma_wait3A_73 : memref<256x128xf32, #tpu.memory_space<hbm>>)
        tpu.yield
      }) : () -> ()
      %scan3A_62 = arith.constant 0 : i32
      scf.yield %scan3A_62 : i32
    }
    %scan3A_43 = arith.constant 3 : i32
    return
  }
}

</mosaic_0001>

<sc_bundles>
// kernel: kernel.3.cloned.1.call-start
scs
__scs_entry_jumppad:
0x0: {  	(pc) =	sbr.rel $0x88, $3  }
0x1: {  	(tag) =	ssettag $0x0;
	lr =	simm.s32 $0x1  }
0x2: {  	[smem:$0x3FA0] =	sst lr;
	_ =	strace $0xD0000000  }
0x3: {  	_ = 	snop  }
0x4: {  	_ = 	snop  }
0x5: {  	_ = 	snop  }
0x6: {  	_ = 	snop  }
0x7: {  	_ = 	snop  }
__scs_overlays_trampoline_lowered:
0x8: {  	[smem:$0x3FAF] =	sst s0  }
0x9: {  	[smem:$0x3FB0] =	sst s1  }
0xa: {  	[smem:$0x3FB1] =	sst s2  }
0xb: {  	[smem:$0x3FB2] =	sst s3  }
0xc: {  	[smem:$0x3FB3] =	sst s4  }
0xd: {  	[smem:$0x3FB4] =	sst s5  }
0xe: {  	[smem:$0x3FB5] =	sst s6  }
0xf: {  	[smem:$0x3FB6] =	sst s7  }
0x10: {  	[smem:$0x3FB7] =	sst s8  }
0x11: {  	[smem:$0x3FB8] =	sst s9;
	s0 =	simm.s32 @!p0 $0x0  }
0x12: {  	s1 =	sld [smem:$0x3F9E];
	s0 =	simm.s32 @p0 $0x1  }
0x13: {  	[smem:$0x3FB9] =	sst s0;
	s0 =	simm.s32 @!p1 $0x0  }
0x14: {  	s2 =	sld [smem:$0x3F9D];
	s0 =	simm.s32 @p1 $0x1  }
0x15: {  	[smem:$0x3FBA] =	sst s0;
	s0 =	simm.s32 @!p2 $0x0  }
0x16: {  	s3 =	sld [smem:$0x3FDB];
	s0 =	simm.s32 @p2 $0x1  }
0x17: {  	s4 =	simm.s32 $0x1BF5;
	[smem:$0x3FBC] =	sst s0  }
0x18: {  	s0 =	sld [smem:$0x3F9F];
	_ =	swait.ge [sflag:s4], $0x0  }
0x19: {  	s7 =	sld [smem:$0x3FA0]  }
0x1a: {  	s8 =	sadd.s32 $0xFFFFE003, lr  }
0x1b: {  	s9 =	sadd.s32 $0xFFFFFEF7, lr;
	s5 =	simm.s32 $0xFFFFFFFF;
	p2 =	slt.u32 s8, $0xFFFFF086  }
0x1c: {  	p1 =	slt.u32 s9, $0xF7A;
	s5 =	simm.s32 @!p2 $0x0  }
0x1d: {  	s5 =	simm.s32 @p1 $0x1;
	p0 =	seq.s32 s7, s2  }
0x1e: {  	s7 =	smul.u32 @!p0 $0xF7A, s2;
	p2 =	seq.s32 @!p0 s5, $0x0  }
0x1f: {  	s9 =	smul.u32 $0xF7A, s1;
	s8 =	simm.s32 @!p0 $0x1BF5;
	p2 =	por !p2, p0  }
0x20: {  	[sflag:s8] =	ssyncset.s32 @!p0 $0xFFFFF086;
	s6 =	sadd.s32 @!p0 s3, s7;
	s7 =	simm.s32 @!p0 $0x108  }
0x21: {  	s3 =	sadd.s32 s3, s9;
	s6 =	sadd.s32 @!p0 $0x88, s6;
	s7 =	simm.s32 @p2 $0x1082  }
0x22: {  	[simem:s7], [sflag:s8] =	dma.local @!p0 [hbm:s6], $0xF7A  }
0x23: {  	s9 =	sor.u32 $0xD0000000, s2;
	s6 =	simm.s32 $0x108;
	_ =	swait.ge @!p0 [sflag:s8], $0x0  }
0x24: {  	s3 =	sadd.s32 $0x88, s3;
	s6 =	simm.s32 @!p1 $0x1082;
	[sflag:s4] =	ssyncset.s32 $0xFFFFF086  }
0x25: {  	[simem:s6], [sflag:s4] =	dma.local [hbm:s3], $0xF7A  }
0x26: {  	[smem:$0x3FA0] =	sst s1;
	(tag) =	ssettag s2;
	_ =	strace s9  }
0x27: {  	s1 =	sld [smem:$0x3FB0]  }
0x28: {  	s2 =	sld [smem:$0x3FB1]  }
0x29: {  	s4 =	sld [smem:$0x3FB3]  }
0x2a: {  	p0 =	seq.s32 s5, $0x0;
	s5 =	sld [smem:$0x3FB4]  }
0x2b: {  	s6 =	sld [smem:$0x3FB5]  }
0x2c: {  	s7 =	sld [smem:$0x3FB6]  }
0x2d: {  	s3 =	simm.s32 $0x108;
	s8 =	sld [smem:$0x3FB7]  }
0x2e: {  	s3 =	simm.s32 @!p0 $0x1082;
	s9 =	sld [smem:$0x3FB8]  }
0x2f: {  	lr =	sadd.s32 s0, s3;
	s0 =	sld [smem:$0x3FAF]  }
0x30: {  	s3 =	sld [smem:$0x3FB2]  }
0x31: {  	[smem:$0x3FBB] =	sst s10  }
0x32: {  	s10 =	sld [smem:$0x3FB9];
	_ =	sdelay $0x3  }
0x33: {  	p0 =	seq.s32 s10, $0x1;
	s10 =	sld [smem:$0x3FBB];
	_ =	sdelay $0x3  }
0x34: {  	[smem:$0x3FBB] =	sst s10  }
0x35: {  	s10 =	sld [smem:$0x3FBA];
	_ =	sdelay $0x3  }
0x36: {  	p1 =	seq.s32 s10, $0x1;
	s10 =	sld [smem:$0x3FBB];
	_ =	sdelay $0x3  }
0x37: {  	[smem:$0x3FBB] =	sst s10  }
0x38: {  	s10 =	sld [smem:$0x3FBC]  }
0x39: {  	_ = 	snop;
	(pc) =	sbr.ind lr, $3  }
0x3a: {  	_ = 	snop  }
0x3b: {  	_ = 	snop  }
0x3c: {  	p2 =	seq.s32 s10, $0x1;
	s10 =	sld [smem:$0x3FBB]  }
0x3d: {  	_ =	shalt  }
0x3e: {  	_ =	shalt  }
0x3f: {  	_ =	shalt  }
0x40: {  	_ =	shalt  }
0x41: {  	_ =	shalt  }
0x42: {  	_ =	shalt  }
0x43: {  	_ =	shalt  }
0x44: {  	_ =	shalt  }
0x45: {  	_ =	shalt  }
0x46: {  	_ =	shalt  }
0x47: {  	_ =	shalt  }
0x48: {  	_ =	shalt  }
0x49: {  	_ =	shalt  }
0x4a: {  	_ =	shalt  }
0x4b: {  	_ =	shalt  }
0x4c: {  	_ =	shalt  }
0x4d: {  	_ =	shalt  }
0x4e: {  	_ =	shalt  }
0x4f: {  	_ =	shalt  }
0x50: {  	_ =	shalt  }
0x51: {  	_ =	shalt  }
0x52: {  	_ =	shalt  }
0x53: {  	_ =	shalt  }
0x54: {  	_ =	shalt  }
0x55: {  	_ =	shalt  }
0x56: {  	_ =	shalt  }
0x57: {  	_ =	shalt  }
0x58: {  	_ =	shalt  }
0x59: {  	_ =	shalt  }
0x5a: {  	_ =	shalt  }
0x5b: {  	_ =	shalt  }
0x5c: {  	_ =	shalt  }
0x5d: {  	_ =	shalt  }
0x5e: {  	_ =	shalt  }
0x5f: {  	_ =	shalt  }
0x60: {  	_ =	shalt  }
0x61: {  	_ =	shalt  }
0x62: {  	_ =	shalt  }
0x63: {  	_ =	shalt  }
0x64: {  	_ =	shalt  }
0x65: {  	_ =	shalt  }
0x66: {  	_ =	shalt  }
0x67: {  	_ =	shalt  }
0x68: {  	_ =	shalt  }
0x69: {  	_ =	shalt  }
0x6a: {  	_ =	shalt  }
0x6b: {  	_ =	shalt  }
0x6c: {  	_ =	shalt  }
0x6d: {  	_ =	shalt  }
0x6e: {  	_ =	shalt  }
0x6f: {  	_ =	shalt  }
0x70: {  	_ =	shalt  }
0x71: {  	_ =	shalt  }
0x72: {  	_ =	shalt  }
0x73: {  	_ =	shalt  }
0x74: {  	_ =	shalt  }
0x75: {  	_ =	shalt  }
0x76: {  	_ =	shalt  }
0x77: {  	_ =	shalt  }
0x78: {  	_ =	shalt  }
0x79: {  	_ =	shalt  }
0x7a: {  	_ =	shalt  }
0x7b: {  	_ =	shalt  }
0x7c: {  	_ =	shalt  }
0x7d: {  	_ =	shalt  }
0x7e: {  	_ =	shalt  }
0x7f: {  	_ =	shalt  }
0x80: {  	_ =	shalt  }
0x81: {  	_ =	shalt  }
0x82: {  	_ =	shalt  }
0x83: {  	_ =	shalt  }
0x84: {  	_ =	shalt  }
0x85: {  	_ =	shalt  }
0x86: {  	_ =	shalt  }
0x87: {  	_ =	shalt  }
.Lfunc_end0:
.L_simem_size_0:
called_computation_lowered:
.L_overlay_start_0:
0x88: {  	s2 =	sld [smem:$0x3FD9]  }
0x89: {  	s3 =	sld [smem:$0x3FFE];
	_ =	sdelay $0x1  }
0x8a: {  	s1 =	srdreg.scid  }
0x8b: {  	s0 =	sand.u32 $0x1, s1  }
0x8c: {  	s17 =	sshll.u32 s0, $0xA;
	s2 =	sadd.s32 s3, s2  }
0x8d: {  	s2 =	sadd.s32 s2, s17  }
0x8e: {  	[smem:$0x3FC7] =	sst s2  }
0x8f: {  	_ = 	snop  }
0x90: {  	s2 =	sld [smem:$0x3FD0];
	(tm) =	ssettm $0x1  }
0x91: {  	s18 =	sld [smem:$0x3FFB];
	_ =	sdelay $0x3  }
0x92: {  	_ =	strace s18  }
0x93: {  	s3 =	sld [smem:$0x3FFC];
	_ =	sdelay $0x3  }
0x94: {  	_ =	strace s3  }
0x95: {  	s3 =	sld [smem:$0x3FFD];
	_ =	sdelay $0x3  }
0x96: {  	_ =	strace s3  }
0x97: {  	_ =	strace $0x8FFFFFFF  }
0x98: {  	s19 =	sld [smem:$0x3FDB];
	_ =	sdelay $0x1  }
0x99: {  	s4 =	simm.s32 $_scs_section_size  }
0x9a: {  	s5 =	simm.s32 $_size__tile_overlayer_lowered;
	s6 =	simm.s32 $_tile_overlayer_lowered  }
0x9b: {  	s22 =	simm.s32 $0x1BFF;
	s21 =	sshll.u32 s6, $0x1;
	s3 =	sadd.s32 s4, s19  }
0x9c: {  	s7 =	simm.s32 $0x0;
	s20 =	sshll.u32 s5, $0x1;
	s5 =	sadd.s32 s21, s3  }
0x9d: {  	[timem:s7], [sflag:s22] =	dma.local [hbm:s5], s20  }
0x9e: {  	_ =	swait.ge [sflag:s22], s20  }
0x9f: {  	s4 =	ssub.s32 $0x0, s20;
	[sflag:s22] =	ssyncset.done $0x0  }
0xa0: {  	[sflag:s22] =	ssyncadd.s32 s4;
	_ =	sdelay $0x1  }
0xa1: {  	s23 =	simm.s32 $0x1B8B  }
0xa2: {  	_ =	swait.ge [sflag:s23], $0x1  }
0xa3: {  	[sflag:s23] =	ssyncset.done $0x0  }
0xa4: {  	s25 =	simm.s32 $0x1B8E;
	s24 =	sld [smem:$0x3FFE];
	[sflag:s23] =	ssyncadd.s32 $0xFFFFFFFF  }
0xa5: {  	s26 =	simm.s32 $execute0_lowered;
	[smem:$0x3FD2] =	sst s25  }
0xa6: {  	s5 =	sshll.u32 s26, $0x1;
	_ =	strace $0x80000046;
	[dreg:$0x1] =	wrdreg $0xFFFFFFFF  }
0xa7: {  	s28 =	simm.s32 $_size_execute0_lowered;
	s3 =	sadd.s32 s3, s5;
	[dreg:$0x0] =	wrdreg $0x0  }
0xa8: {  	s5 =	sshll.u32 s28, $0x1;
	[dreg:$0x2] =	wrdreg s3  }
0xa9: {  	[dreg:$0x3] =	wrdreg s5  }
0xaa: {  	[dreg:$0x4] =	wrdreg $0xC0  }
0xab: {  	_ =	task [dreg:s7], $0x5FFFF  }
0xac: {  	[dreg:$0x1] =	wrdreg $0xFFFFFFFF  }
0xad: {  	[dreg:$0x0] =	wrdreg $0x60  }
0xae: {  	[dreg:$0x2] =	wrdreg s24  }
0xaf: {  	[dreg:$0x3] =	wrdreg s2  }
0xb0: {  	[dreg:$0x4] =	wrdreg $0x9  }
0xb1: {  	_ =	task.clear_ibuf [dreg:s7], $0x5FFFF;
	_ =	strace $0x90000046  }
0xb2: {  	s29 =	simm.s32 $0x9;
	_ =	strace $0x80000048  }
0xb3: {  	_ =	swait.ge [sflag:s29], $0x1  }
0xb4: {  	[sflag:s29] =	ssyncadd.s32 $0xFFFFFFFF  }
0xb5: {  	_ =	strace $0x90000048  }
0xb6: {  	_ =	sfence  }
0xb7: {  	s30 =	sld [smem:$0x0];
	_ =	sdelay $0x2  }
0xb8: {  	s31 =	sshll.u32 s1, $0xD;
	s1 =	sshrl.u32 s1, $0x2  }
0xb9: {  	s3 =	sand.u32 $0x4000, s31;
	s1 =	sadd.s32 s1, s30  }
0xba: {  	s0 =	sor.u32 s3, s0;
	s1 =	sshll.u32 s1, $0x11  }
0xbb: {  	s0 =	sor.u32 s1, s0  }
0xbc: {  	s0 =	sadd.s32 $0x8F2B, s0  }
0xbd: {  	[sflag:s0] =	ssyncadd.remote.s32 $0x1  }
0xbe: {  	_ =	sfence.sel $0xFFFF  }
0xbf: {  	[dreg:$0x0] =	wrdreg $0xFFFFFFFF;
	(pc) =	sbr.abs _section_cstart, $3  }
0xc0: {  	[dreg:$0x1] =	wrdreg $0xFFFFFFFF  }
0xc1: {  	_ =	task.clear_ibuf [dreg:s7], $0x2FFFF;
	_ =	strace $0x9FFFFFFF  }
0xc2: {  	(tm) =	ssettm $0x7FFFFFFF  }
0xc3: {  	_ =	shalt  }
tec
execute0_lowered:
.L_overlay_start_1:
0x0: {  	(tag) =	ssettag $0x1  }
0x1: {  	s4 =	rddreg [dreg:$0x0]  }
0x2: {  	s1 =	rddreg [dreg:$0x1];
	s2 =	simm.s32 $0x0  }
0x3: {  	[smem:$0x7FF] =	sst s2  }
0x4: {  	s0 =	rddreg [dreg:$0x2];
	v0 =	vimm.f32 $2.047000000e+03;
	_ =	strace $0x80000047  }
0x5: {  	(erf) = vrcp.f32 v0;
	_ =	sdelay $0x3  }
0x6: {  	s5 =	srdreg.scid;
	s3 =	stileid.u32;
	s10 =	simm.s32 $0x0  }
0x7: {  	s5 =	sand.u32 $0x1, s5;
	s4 =	sadd.s32 $0x400, s4;
	s7 =	sshll.u32 s3, $0x1  }
0x8: {  	s9 =	sshrl.u32 s3, $0x2;
	s6 =	ssub.s32 $0x2, s5;
	s7 =	sand.u32 $0x6, s7  }
0x9: {  	s8 =	sshrl.u32 s6, $0x1;
	s30 =	sor.u32 s5, s7;
	s5 =	smul.u32 $0x3, s9  }
0xa: {  	v3 =	vlaneseq.u32;
	s9 =	simm.s32 $0x1;
	s8 =	ssub.s32 s6, s8;
	s31 =	sshll.u32 s30, $0x8  }
0xb: {  	v2 =	vimm.f32 $0.0e+00;
	s6 =	sshll.u32 s30, $0xC;
	s7 =	smax.u32 s8, $0x1;
	v0 =	vor.u32 s31, v3;
	s8 =	simm.s32 $0x8000;
	v3 =	vmul.u32 $0x80, v3;
	v1 =	vpop (erf)  }
.LBB2_1:
0xc: {  	s11 =	simm.s32 $0x0  }
.LBB2_2:
0xd: {  	s12 =	sadd.s32 s5, s11  }
0xe: {  	s12 =	sshll.u32 s12, $0xF  }
0xf: {  	s12 =	sor.u32 s6, s12  }
0x10: {  	s15 =	simm.s32 $0x0;
	s13 =	sadd.s32 s4, s12  }
0x11: {  	[tilespmem:s8], [sflag:$0x1] =	stream.linear.gather [hbm4b:s13+s15], $0x8000, $0x38;
	[tilespmem:$0x10000] =	vst v63  }
0x12: {  	_ =	swait.ge [sflag:s9], $0x8000  }
0x13: {  	[sflag:s9] =	ssyncset.done $0x0  }
0x14: {  	s13 =	simm.s32 $0x0;
	[sflag:s9] =	ssyncadd.s32 $0xFFFF8000  }
0x15: {  	v5 =	vld [tilespmem:s13+$0x8030]  }
0x16: {  	[tilespmem:s13+$0x0] =	vst v2;
	v6 =	vld [tilespmem:s13+$0x8000]  }
0x17: {  	[tilespmem:s13+$0x10] =	vst v2;
	v7 =	vld [tilespmem:s13+$0x8010]  }
0x18: {  	[tilespmem:s13+$0x20] =	vst v2;
	v4 =	vld [tilespmem:s13+$0x8020]  }
0x19: {  	[tilespmem:s13+$0x30] =	vst v2  }
0x1a: {  	[tilespmem:s13+$0x70] =	vst v5  }
0x1b: {  	[tilespmem:s13+$0x40] =	vst v6  }
0x1c: {  	s16 =	simm.s32 $0x80;
	s14 =	simm.s32 $0x400;
	[tilespmem:s13+$0x50] =	vst v7  }
.LBB2_3:
0x1d: {  	p0 =	sne.s32 s14, $0x1FE00;
	v5 =	vld [tilespmem:s16+$0x8030];
	[tilespmem:s13+$0x60] =	vst v4;
	s13 =	smov.u32 s16  }
0x1e: {  	[tilespmem:s13+$0x0] =	vst v2;
	v6 =	vld [tilespmem:s13+$0x8000]  }
0x1f: {  	[tilespmem:s13+$0x10] =	vst v2;
	v7 =	vld [tilespmem:s13+$0x8010]  }
.Ltmp0:
0x20: {  	[tilespmem:s13+$0x20] =	vst v2;
	v4 =	vld [tilespmem:s13+$0x8020];
	(pc) =	sbr.rel @p0 .LBB2_3-.Ltmp0, $4  }
0x21: {  	[tilespmem:s13+$0x30] =	vst v2  }
0x22: {  	[tilespmem:s13+$0x70] =	vst v5  }
0x23: {  	[tilespmem:s13+$0x40] =	vst v6  }
0x24: {  	s16 =	sshra.s32 s14, $0x2;
	s14 =	sadd.s32 $0x200, s14;
	[tilespmem:s13+$0x50] =	vst v7  }
0x25: {  	v5 =	vor.u32 s15, v0  }
0x26: {  	v5 =	vcvt.s32.f32 v5;
	_ =	sdelay $0x1  }
0x27: {  	v5 =	vmul.f32 v5, v1;
	_ =	sdelay $0x1  }
0x28: {  	v5 =	vadd.f32 v5, v5;
	_ =	sdelay $0x1  }
0x29: {  	s14 =	simm.s32 $0x10;
	v5 =	vadd.f32 $-1.000000000e+00, v5  }
0x2a: {  	v6 =	vor.u32 s14, v0  }
0x2b: {  	v6 =	vcvt.s32.f32 v6;
	v5 =	vadd.f32 $1.000000000e+00, v5;
	_ =	sdelay $0x1  }
0x2c: {  	v6 =	vmul.f32 v6, v1;
	v5 =	vmul.f32 $5.000000000e-01, v5;
	_ =	sdelay $0x1  }
0x2d: {  	v7 =	vld [tilespmem:s16+$0x8030];
	[tilespmem:s13+$0x60] =	vst v4;
	v4 =	vmul.f32 $6.300000000e+01, v5;
	v5 =	vadd.f32 v6, v6  }
0x2e: {  	s13 =	simm.s32 $0x20  }
0x2f: {  	v11 =	vor.u32 s13, v0;
	v5 =	vadd.f32 $-1.000000000e+00, v5  }
0x30: {  	v9 =	vmov s15;
	v11 =	vcvt.s32.f32 v11;
	v6 =	vld [tilespmem:s16+$0x8000];
	v8 =	vtrunc.f32 v4  }
0x31: {  	[tilespmem:s16+$0x0] =	vst v2;
	v9 =	vshll.u32 v9, $0x7;
	v8 =	vcvt.f32.s32 v8;
	v5 =	vadd.f32 $1.000000000e+00, v5  }
0x32: {  	[tilespmem:s16+$0x10] =	vst v2;
	v10 =	vld [tilespmem:s16+$0x8010];
	v9 =	vor.u32 v3, v9;
	v11 =	vmul.f32 v11, v1  }
0x33: {  	[tilespmem:s16+$0x20] =	vst v2;
	v13 =	vld [tilespmem:s16+$0x8020];
	v12 =	vcvt.s32.f32 v8;
	v14 =	vadd.s32 $0x1, v8;
	v5 =	vmul.f32 $5.000000000e-01, v5  }
0x34: {  	[tilespmem:s16+$0x70] =	vst v7;
	v15 =	vand.u32 $0xFFFFFF80, v8;
	v7 =	vand.u32 $0x7F, v8;
	v8 =	vadd.f32 v11, v11  }
0x35: {  	[tilespmem:s16+$0x40] =	vst v6;
	v63 =	vand.u32 $0xFFFFFF80, v14;
	v6 =	vadd.s32 v9, v15;
	v5 =	vmul.f32 $6.300000000e+01, v5  }
0x36: {  	[tilespmem:s16+$0x30] =	vst v2;
	v11 =	vand.u32 $0x7F, v14;
	vm0 =	vlt.s32 v14, $0x40;
	v4 =	vsub.f32 v4, v12  }
0x37: {  	[tilespmem:s16+$0x50] =	vst v10;
	v12 =	vadd.s32 v9, v63;
	v6 =	vor.u32 v7, v6;
	v7 =	vtrunc.f32 v5  }
0x38: {  	s15 =	simm.s32 $0x30;
	[tilespmem:s16+$0x60] =	vst v13;
	v9 =	vadd.f32 $-1.000000000e+00, v8;
	v8 =	vcvt.f32.s32 v7;
	v7 =	vor.u32 v11, v12  }
.LBB2_5:
0x39: {  	p0 =	sne.s32 s15, $0xF0  }
0x3a: {  	v10 =	vmov s14;
	v11 =	vsub.f32 $1.000000000e+00, v4;
	s14 =	smov.u32 s13;
	s13 =	smov.u32 s15;
	s15 =	sadd.s32 $0x10, s15  }
0x3b: {  	v12 =	vor.u32 s13, v0;
	v9 =	vadd.f32 $1.000000000e+00, v9;
	v10 =	vshll.u32 v10, $0x7  }
0x3c: {  	v13 =	vadd.s32 $0x1, v8;
	v12 =	vcvt.s32.f32 v12;
	v10 =	vor.u32 v3, v10  }
0x3d: {  	v14 =	vcvt.s32.f32 v8;
	v15 =	vand.u32 $0xFFFFFF80, v8;
	v9 =	vmul.f32 $5.000000000e-01, v9;
	[tilespmem:v6+s2+$0x0] =	vst.idx.msk $0xffff, v11  }
.Ltmp1:
0x3e: {  	v8 =	vand.u32 $0x7F, v8;
	v11 =	vand.u32 $0xFFFFFF80, v13;
	v6 =	vmul.f32 v12, v1;
	[tilespmem:v7+s2+$0x0] =	vst.idx.msk vm0, v4;
	(pc) =	sbr.rel @p0 .LBB2_5-.Ltmp1, $4  }
0x3f: {  	v4 =	vsub.f32 v5, v14;
	v7 =	vadd.s32 v10, v11;
	v5 =	vmul.f32 $6.300000000e+01, v9  }
0x40: {  	v9 =	vadd.f32 v6, v6;
	v6 =	vadd.s32 v10, v15;
	v10 =	vand.u32 $0x7F, v13  }
0x41: {  	vm0 =	vlt.s32 v13, $0x40;
	v11 =	vtrunc.f32 v5;
	v6 =	vor.u32 v8, v6  }
0x42: {  	v7 =	vor.u32 v10, v7;
	v9 =	vadd.f32 $-1.000000000e+00, v9;
	v8 =	vcvt.f32.s32 v11  }
0x43: {  	_ = 	snop  }
0x44: {  	v9 =	vadd.f32 $1.000000000e+00, v9;
	_ =	sdelay $0x1  }
0x45: {  	v10 =	vmov s14;
	v11 =	vsub.f32 $1.000000000e+00, v4;
	v9 =	vmul.f32 $5.000000000e-01, v9  }
0x46: {  	v54 =	vmov s13;
	v10 =	vshll.u32 v10, $0x7;
	v12 =	vadd.s32 $0x1, v8  }
0x47: {  	v13 =	vcvt.s32.f32 v8;
	v14 =	vand.u32 $0xFFFFFF80, v8;
	v9 =	vmul.f32 $6.300000000e+01, v9  }
0x48: {  	v50 =	vand.u32 $0x7F, v8;
	v55 =	vshll.u32 v54, $0x7;
	v10 =	vor.u32 v3, v10  }
0x49: {  	v15 =	vand.u32 $0xFFFFFF80, v12;
	v53 =	vand.u32 $0x7F, v12;
	v16 =	vtrunc.f32 v9  }
0x4a: {  	v51 =	vadd.s32 v10, v15;
	v10 =	vadd.s32 v10, v14;
	v52 =	vcvt.f32.s32 v16  }
0x4b: {  	vm1 =	vlt.s32 v12, $0x40;
	v5 =	vsub.f32 v5, v13;
	v8 =	vor.u32 v50, v10  }
0x4c: {  	v10 =	vor.u32 v3, v55;
	v13 =	vor.u32 v53, v51;
	v56 =	vadd.s32 $0x1, v52  }
0x4d: {  	v58 =	vand.u32 $0xFFFFFF80, v52;
	v59 =	vcvt.s32.f32 v52;
	v57 =	vand.u32 $0xFFFFFF80, v56  }
0x4e: {  	v15 =	vand.u32 $0x7F, v52;
	v12 =	vadd.s32 v10, v57;
	v10 =	vadd.s32 v10, v58  }
0x4f: {  	vm2 =	vlt.s32 v56, $0x40;
	v60 =	vand.u32 $0x7F, v56;
	v10 =	vor.u32 v15, v10  }
0x50: {  	[tilespmem:v6+s2+$0x0] =	vst.idx.msk $0xffff, v11;
	v63 =	vsub.f32 $1.000000000e+00, v5;
	v61 =	vsub.f32 v9, v59;
	v62 =	vor.u32 v60, v12  }
0x51: {  	[tilespmem:v7+s2+$0x0] =	vst.idx.msk vm0, v4  }
0x52: {  	[tilespmem:v8+s2+$0x0] =	vst.idx.msk $0xffff, v63;
	v4 =	vsub.f32 $1.000000000e+00, v61  }
0x53: {  	s11 =	sadd.s32 $0x1, s11;
	[tilespmem:v13+s2+$0x0] =	vst.idx.msk vm1, v5  }
0x54: {  	p0 =	sne.s32 s11, $0x3;
	[tilespmem:v10+s2+$0x0] =	vst.idx.msk $0xffff, v4  }
.Ltmp2:
0x55: {  	s12 =	sadd.s32 s1, s12;
	[tilespmem:v62+s2+$0x0] =	vst.idx.msk vm2, v61;
	(pc) =	sbr.rel @p0 .LBB2_2-.Ltmp2, $4  }
0x56: {  	[hbm4b:s12+s2] =	stream.linear.scatter [tilespmem:s2], [sflag:$0x1], $0x8000, $0x38;
	[tilespmem:$0x10000] =	vst v63  }
0x57: {  	_ =	swait.ge [sflag:s9], $0x8000  }
0x58: {  	[sflag:s9] =	ssyncset.done $0x0  }
0x59: {  	[sflag:s9] =	ssyncadd.s32 $0xFFFF8000  }
0x5a: {  	s10 =	sadd.s32 $0x1, s10  }
0x5b: {  	p0 =	sne.s32 s10, s7  }
.Ltmp3:
0x5c: {  	_ = 	snop;
	(pc) =	sbr.rel @p0 .LBB2_1-.Ltmp3, $1  }
0x5d: {  	_ =	sdelay $0x3  }
0x5e: {  	_ =	sfence.sel $0x180000  }
0x5f: {  	[bflag:$0x0] =	sbarrier.arrive $0xFFFF  }
0x60: {  	p0 =	sne.s32 s3, $0x0;
	_ =	strace $0x90000047  }
0x61: {  	s0 =	sadd.s32 @!p0 $0x100000, s0;
	[bflag:$0x2] =	sbarrier.arrive $0xFFFF  }
0x62: {  	[sflag:s0] =	ssyncadd.tile.s32 @!p0 $0x1;
	_ =	shalt  }
.Lfunc_end2:
_tile_overlayer_lowered:
.L_overlay_start_2:
0x63: {  	(tag) =	ssettag $0x2  }
0x64: {  	s0 =	rddreg [dreg:$0x0];
	s2 =	stileid.u32  }
0x65: {  	s1 =	rddreg [dreg:$0x1];
	p0 =	sne.s32 s2, $0x0  }
0x66: {  	s3 =	rddreg [dreg:$0x2];
	[bflag:$0x3] =	sbarrier.arrive $0xFFFF;
	s2 =	simm.s32 @!p0 $0x1C01  }
0x67: {  	[timem:s3], [sflag:s2] =	dma.local @!p0 [hbm:s0], s1  }
0x68: {  	s0 =	simm.s32 @!p0 $0x1  }
0x69: {  	_ =	swait.ge @!p0 [sflag:s0], s1  }
0x6a: {  	s1 =	ssub.s32 @!p0 $0x0, s1;
	[sflag:s0] =	ssyncset.done @!p0 $0x0  }
0x6b: {  	[sflag:s0] =	ssyncadd.s32 @!p0 s1  }
0x6c: {  	[bflag:$0x3] =	sbarrier.arrive $0xFFFF  }
0x6d: {  	_ =	shalt  }

</sc_bundles>
